<compile_context>
chip_gen: v7x
topology: tpu7x:2x2x1
jax: 0.10.2.dev20260603
libtpu: 0.0.44.dev20260713+nightly
codegen_flags: <defaults>
</compile_context>

<pallas_src>
import dataclasses
import functools

import jax
import jax.numpy as jnp
from jax import lax
from jax.experimental import pallas as pl
from jax.experimental.pallas import tpu as pltpu
from jax.experimental.pallas import tpu_sc as plsc

B = 16384
VOCAB = 1000
VP = 1024
EMB = 8
NSLOT = 12
NCLS = 2
NW = 32
BPW = B // NW
L = 16


def _bf(x):
    return x.astype(jnp.bfloat16).astype(jnp.float32)


def _prep_body(embT_ref, a2_ref, dwb_ref, xdT_ref, table_ref, dpart_ref):
    a2 = _bf(a2_ref[...])
    embT = _bf(embT_ref[...])
    t = a2[:, 0:1] * embT[0:1, :]
    for e in range(1, EMB):
        t = t + a2[:, e : e + 1] * embT[e : e + 1, :]
    table_ref[...] = t
    dwb = _bf(dwb_ref[...])
    xdT = _bf(xdT_ref[...])
    d = jnp.broadcast_to(dwb_ref[:, 4:5], (NCLS, B))
    for j in range(4):
        d = d + dwb[:, j : j + 1] * xdT[j : j + 1, :]
    dpart_ref[...] = d


_prep = pl.pallas_call(
    _prep_body,
    out_shape=(
        jax.ShapeDtypeStruct((NSLOT * NCLS, VP), jnp.float32),
        jax.ShapeDtypeStruct((NCLS, B), jnp.float32),
    ),
)


def _sc_compiler_params():
    cp = pltpu.CompilerParams()
    if "needs_layout_passes" in pltpu.CompilerParams.__dataclass_fields__:
        cp = dataclasses.replace(cp, needs_layout_passes=False)
    return cp


@functools.partial(
    pl.kernel,
    out_type=(
        jax.ShapeDtypeStruct((NCLS * B,), jnp.float32),
        jax.ShapeDtypeStruct((NCLS * B,), jnp.float32),
        jax.ShapeDtypeStruct((B,), jnp.int32),
    ),
    mesh=plsc.VectorSubcoreMesh(core_axis_name="c", subcore_axis_name="s"),
    scratch_types=[
        pltpu.VMEM((NSLOT * NCLS * VP,), jnp.float32),
        pltpu.VMEM((NSLOT, BPW), jnp.int32),
        pltpu.VMEM((NCLS, BPW), jnp.float32),
        pltpu.VMEM((NCLS * BPW,), jnp.float32),
        pltpu.VMEM((NCLS * BPW,), jnp.float32),
        pltpu.VMEM((BPW,), jnp.int32),
    ],
    compiler_params=_sc_compiler_params(),
)
def _sc_main(table_hbm, idx_hbm, dpart_hbm, lo_hbm, pr_hbm, cl_hbm,
             table_v, idx_v, dp_v, lo_v, pr_v, cl_v):
    wid = lax.axis_index("s") * 2 + lax.axis_index("c")
    base = wid * BPW
    pltpu.sync_copy(table_hbm, table_v)
    pltpu.sync_copy(idx_hbm.at[:, pl.ds(base, BPW)], idx_v)
    pltpu.sync_copy(dpart_hbm.at[:, pl.ds(base, BPW)], dp_v)

    @pl.loop(0, BPW, step=L)
    def _(c0):
        iv = idx_v[0, pl.ds(c0, L)]
        acc0 = plsc.load_gather(table_v, [iv])
        acc1 = plsc.load_gather(table_v, [iv + VP])
        for s in range(1, NSLOT):
            iv = idx_v[s, pl.ds(c0, L)]
            acc0 = acc0 + plsc.load_gather(table_v, [iv])
            acc1 = acc1 + plsc.load_gather(table_v, [iv + VP])
        acc0 = acc0 + dp_v[0, pl.ds(c0, L)]
        acc1 = acc1 + dp_v[1, pl.ds(c0, L)]
        m = jnp.maximum(acc0, acc1)
        e0 = jnp.exp(acc0 - m)
        e1 = jnp.exp(acc1 - m)
        rs = e0 + e1
        pos = 2 * c0 + 2 * lax.iota(jnp.int32, L)
        plsc.store_scatter(lo_v, [pos], acc0)
        plsc.store_scatter(lo_v, [pos + 1], acc1)
        plsc.store_scatter(pr_v, [pos], e0 / rs)
        plsc.store_scatter(pr_v, [pos + 1], e1 / rs)
        cl_v[pl.ds(c0, L)] = jnp.where(acc1 > acc0, jnp.int32(1), jnp.int32(0))

    pltpu.sync_copy(lo_v, lo_hbm.at[pl.ds(NCLS * base, NCLS * BPW)])
    pltpu.sync_copy(pr_v, pr_hbm.at[pl.ds(NCLS * base, NCLS * BPW)])
    pltpu.sync_copy(cl_v, cl_hbm.at[pl.ds(base, BPW)])


def kernel(x_wide, x_deep, x_dense, emb, fc_w, fc_b):
    x_all = jnp.concatenate(
        [x_wide.astype(jnp.int32), x_deep.astype(jnp.int32)], axis=1)
    idxT = x_all.T + (jnp.arange(NSLOT, dtype=jnp.int32) * (NCLS * VP))[:, None]
    embT = jnp.zeros((EMB, VP), jnp.float32).at[:, :VOCAB].set(emb.T)
    a2 = fc_w[:, : NSLOT * EMB].reshape(NCLS, NSLOT, EMB)
    a2 = a2.transpose(1, 0, 2).reshape(NSLOT * NCLS, EMB)
    dwb = jnp.concatenate([fc_w[:, NSLOT * EMB :], fc_b[:, None]], axis=1)
    table, dpart = _prep(embT, a2, dwb, x_dense.T)
    lo, pr, cl = _sc_main(table.reshape(-1), idxT, dpart)
    return (lo.reshape(B, NCLS), cl.reshape(B, 1), pr.reshape(B, NCLS))

# --- scband reference (transcript-rebuilt; emitter-appended) ---
"""Pipeline reference for scband-net-31834297598315 (READ-ONLY COPY).

The authoritative reference and input builder live on the scoring server;
editing this copy changes nothing except your own understanding.
"""

import jax, jax.numpy as jnp
import numpy as np

B = 16384
VOCAB = 1000
EMB = 8

def setup_inputs(seed: int = 0) -> dict:
    key = jax.random.key(seed)
    k1, k2, k3, k4, k5, k6 = jax.random.split(key, 6)
    x_wide = jax.random.randint(k1, (B, 8), 0, VOCAB)
    x_deep = jax.random.randint(k2, (B, 4), 0, VOCAB)
    x_dense = jax.random.normal(k3, (B, 4), dtype=jnp.float32)
    emb = jax.random.normal(k4, (VOCAB, EMB), dtype=jnp.float32)
    fc_w = jax.random.normal(k5, (2, 100), dtype=jnp.float32) * 0.1
    fc_b = jax.random.normal(k6, (2,), dtype=jnp.float32) * 0.1
    return {"x_wide": x_wide, "x_deep": x_deep, "x_dense": x_dense, "emb": emb, "fc_w": fc_w, "fc_b": fc_b}

def reference(x_wide, x_deep, x_dense, emb, fc_w, fc_b):
    xw = jnp.take(emb, x_wide, axis=0).reshape(-1, 64)
    xd = jnp.take(emb, x_deep, axis=0).reshape(-1, 32)
    X = jnp.concatenate([xw, xd, x_dense], axis=1)
    logits = X @ fc_w.T + fc_b
    target_classes = jnp.argmax(logits, axis=1, keepdims=True)
    probabilites = jax.nn.softmax(logits, axis=1)
    return (logits, target_classes, probabilites)

if __name__ == "__main__":
    import jax
    _d = setup_inputs()
    print(jax.jit(kernel)(*tuple(_d.values())))

</pallas_src>

<mosaic_0001>
#map = affine_map<(d0, d1) -> (0)>
#map1 = affine_map<(d0, d1) -> (0, 0)>
module attributes {stable_mosaic.version = 14 : i64} {
  func.func @_sc_main(%arg0: i32, %arg1: i32, %arg2: memref<24576xf32, #tpu.memory_space<hbm>>, %arg3: memref<12x16384xi32, #tpu.memory_space<hbm>>, %arg4: memref<2x16384xf32, #tpu.memory_space<hbm>>, %arg5: memref<32768xf32, #tpu.memory_space<hbm>>, %arg6: memref<32768xf32, #tpu.memory_space<hbm>>, %arg7: memref<16384xi32, #tpu.memory_space<hbm>>, %arg8: memref<24576xf32, #tpu.memory_space<vmem>>, %arg9: memref<12x512xi32, #tpu.memory_space<vmem>>, %arg10: memref<2x512xf32, #tpu.memory_space<vmem>>, %arg11: memref<1024xf32, #tpu.memory_space<vmem>>, %arg12: memref<1024xf32, #tpu.memory_space<vmem>>, %arg13: memref<512xi32, #tpu.memory_space<vmem>>) attributes {dimension_semantics = [#tpu.dimension_semantics<core_parallel>, #tpu.dimension_semantics<subcore_parallel>], iteration_bounds = array<i64: 2, 16>, scalar_prefetch = 0 : i64, scratch_operands = 6 : i64, tpu.core_type = #tpu.core_type<sc_vector_subcore>, window_params = [{transform_indices = #map}, {transform_indices = #map1}, {transform_indices = #map1}, {transform_indices = #map}, {transform_indices = #map}, {transform_indices = #map}]} {
    %mul3A = arith.constant 2 : i32
    %mul3A_0 = arith.muli %arg1, %mul3A : i32
    %add3A = arith.addi %mul3A_0, %arg0 : i32
    %mul3A_1 = arith.constant 512 : i32
    %mul3A_2 = arith.muli %add3A, %mul3A_1 : i32
    "tpu.region"() ({
      %run_scoped3A = tpu.sem_alloc : memref<!tpu.dma_semaphore, #tpu.memory_space<semaphore_mem>>
      tpu.enqueue_dma source(%arg2 : memref<24576xf32, #tpu.memory_space<hbm>>) target(%arg8 : memref<24576xf32, #tpu.memory_space<vmem>>) target_semaphore(%run_scoped3A : memref<!tpu.dma_semaphore, #tpu.memory_space<semaphore_mem>>)
      tpu.wait_dma2 semaphore(%run_scoped3A : memref<!tpu.dma_semaphore, #tpu.memory_space<semaphore_mem>>) src(%arg2 : memref<24576xf32, #tpu.memory_space<hbm>>) dst(%arg8 : memref<24576xf32, #tpu.memory_space<vmem>>)
      tpu.yield
    }) : () -> ()
    "tpu.region"() ({
      %run_scoped3A = tpu.sem_alloc : memref<!tpu.dma_semaphore, #tpu.memory_space<semaphore_mem>>
      %dma_start3A = arith.constant 0 : i32
      %dma_start3A_11 = tpu.memref_slice %arg3[%dma_start3A, %mul3A_2] : memref<12x16384xi32, #tpu.memory_space<hbm>> -> memref<12x512xi32, #tpu.memory_space<hbm>>
      %dma_start3A_12 = arith.constant 0 : i32
      %dma_start3A_13 = tpu.memref_slice %arg3[%dma_start3A_12, %mul3A_2] : memref<12x16384xi32, #tpu.memory_space<hbm>> -> memref<12x512xi32, #tpu.memory_space<hbm>>
      tpu.enqueue_dma source(%dma_start3A_13 : memref<12x512xi32, #tpu.memory_space<hbm>>) target(%arg9 : memref<12x512xi32, #tpu.memory_space<vmem>>) target_semaphore(%run_scoped3A : memref<!tpu.dma_semaphore, #tpu.memory_space<semaphore_mem>>)
      %dma_wait3A = arith.constant 0 : i32
      %dma_wait3A_14 = tpu.memref_slice %arg3[%dma_wait3A, %mul3A_2] : memref<12x16384xi32, #tpu.memory_space<hbm>> -> memref<12x512xi32, #tpu.memory_space<hbm>>
      %dma_wait3A_15 = arith.constant 0 : i32
      %dma_wait3A_16 = tpu.memref_slice %arg3[%dma_wait3A_15, %mul3A_2] : memref<12x16384xi32, #tpu.memory_space<hbm>> -> memref<12x512xi32, #tpu.memory_space<hbm>>
      tpu.wait_dma2 semaphore(%run_scoped3A : memref<!tpu.dma_semaphore, #tpu.memory_space<semaphore_mem>>) src(%dma_wait3A_16 : memref<12x512xi32, #tpu.memory_space<hbm>>) dst(%arg9 : memref<12x512xi32, #tpu.memory_space<vmem>>)
      tpu.yield
    }) : () -> ()
    "tpu.region"() ({
      %run_scoped3A = tpu.sem_alloc : memref<!tpu.dma_semaphore, #tpu.memory_space<semaphore_mem>>
      %dma_start3A = arith.constant 0 : i32
      %dma_start3A_11 = tpu.memref_slice %arg4[%dma_start3A, %mul3A_2] : memref<2x16384xf32, #tpu.memory_space<hbm>> -> memref<2x512xf32, #tpu.memory_space<hbm>>
      %dma_start3A_12 = arith.constant 0 : i32
      %dma_start3A_13 = tpu.memref_slice %arg4[%dma_start3A_12, %mul3A_2] : memref<2x16384xf32, #tpu.memory_space<hbm>> -> memref<2x512xf32, #tpu.memory_space<hbm>>
      tpu.enqueue_dma source(%dma_start3A_13 : memref<2x512xf32, #tpu.memory_space<hbm>>) target(%arg10 : memref<2x512xf32, #tpu.memory_space<vmem>>) target_semaphore(%run_scoped3A : memref<!tpu.dma_semaphore, #tpu.memory_space<semaphore_mem>>)
      %dma_wait3A = arith.constant 0 : i32
      %dma_wait3A_14 = tpu.memref_slice %arg4[%dma_wait3A, %mul3A_2] : memref<2x16384xf32, #tpu.memory_space<hbm>> -> memref<2x512xf32, #tpu.memory_space<hbm>>
      %dma_wait3A_15 = arith.constant 0 : i32
      %dma_wait3A_16 = tpu.memref_slice %arg4[%dma_wait3A_15, %mul3A_2] : memref<2x16384xf32, #tpu.memory_space<hbm>> -> memref<2x512xf32, #tpu.memory_space<hbm>>
      tpu.wait_dma2 semaphore(%run_scoped3A : memref<!tpu.dma_semaphore, #tpu.memory_space<semaphore_mem>>) src(%dma_wait3A_16 : memref<2x512xf32, #tpu.memory_space<hbm>>) dst(%arg10 : memref<2x512xf32, #tpu.memory_space<vmem>>)
      tpu.yield
    }) : () -> ()
    %scan3A = arith.constant 0 : i32
    %scan3A_3 = arith.constant 32 : i32
    %scan3A_4 = arith.addi %scan3A, %scan3A_3 : i32
    %scan3A_5 = arith.constant 1 : i32
    scf.for %scan3A_11 = %scan3A to %scan3A_4 step %scan3A_5  : i32 {
      %mul3A_12 = arith.constant 16 : i32
      %mul3A_13 = arith.muli %scan3A_11, %mul3A_12 : i32
      %add3A_14 = arith.constant 0 : i32
      %add3A_15 = arith.addi %add3A_14, %mul3A_13 : i32
      %get3A = arith.constant 0 : i32
      %get3A_16 = arith.index_cast %get3A : i32 to index
      %get3A_17 = arith.index_cast %add3A_15 : i32 to index
      %get3A_18 = tpu.vector_load %arg9[%get3A_16, %get3A_17] {strides = array<i32>} : memref<12x512xi32, #tpu.memory_space<vmem>>, vector<16xi32>,
      %gather3A = tpu.vector_load_idx %arg8[%get3A_18] : memref<24576xf32, #tpu.memory_space<vmem>>[vector<16xi32>], vector<16xf32>,
      %add3A_19 = arith.constant 1024 : i32
      %add3A_20 = vector.broadcast %add3A_19 : i32 to vector<16xi32>
      %add3A_21 = arith.addi %get3A_18, %add3A_20 : vector<16xi32>
      %gather3A_22 = tpu.vector_load_idx %arg8[%add3A_21] : memref<24576xf32, #tpu.memory_space<vmem>>[vector<16xi32>], vector<16xf32>,
      %get3A_23 = arith.constant 1 : i32
      %get3A_24 = arith.index_cast %get3A_23 : i32 to index
      %get3A_25 = arith.index_cast %add3A_15 : i32 to index
      %get3A_26 = tpu.vector_load %arg9[%get3A_24, %get3A_25] {strides = array<i32>} : memref<12x512xi32, #tpu.memory_space<vmem>>, vector<16xi32>,
      %gather3A_27 = tpu.vector_load_idx %arg8[%get3A_26] : memref<24576xf32, #tpu.memory_space<vmem>>[vector<16xi32>], vector<16xf32>,
      %add3A_28 = arith.addf %gather3A, %gather3A_27 : vector<16xf32>
      %add3A_29 = arith.constant 1024 : i32
      %add3A_30 = vector.broadcast %add3A_29 : i32 to vector<16xi32>
      %add3A_31 = arith.addi %get3A_26, %add3A_30 : vector<16xi32>
      %gather3A_32 = tpu.vector_load_idx %arg8[%add3A_31] : memref<24576xf32, #tpu.memory_space<vmem>>[vector<16xi32>], vector<16xf32>,
      %add3A_33 = arith.addf %gather3A_22, %gather3A_32 : vector<16xf32>
      %get3A_34 = arith.constant 2 : i32
      %get3A_35 = arith.index_cast %get3A_34 : i32 to index
      %get3A_36 = arith.index_cast %add3A_15 : i32 to index
      %get3A_37 = tpu.vector_load %arg9[%get3A_35, %get3A_36] {strides = array<i32>} : memref<12x512xi32, #tpu.memory_space<vmem>>, vector<16xi32>,
      %gather3A_38 = tpu.vector_load_idx %arg8[%get3A_37] : memref<24576xf32, #tpu.memory_space<vmem>>[vector<16xi32>], vector<16xf32>,
      %add3A_39 = arith.addf %add3A_28, %gather3A_38 : vector<16xf32>
      %add3A_40 = arith.constant 1024 : i32
      %add3A_41 = vector.broadcast %add3A_40 : i32 to vector<16xi32>
      %add3A_42 = arith.addi %get3A_37, %add3A_41 : vector<16xi32>
      %gather3A_43 = tpu.vector_load_idx %arg8[%add3A_42] : memref<24576xf32, #tpu.memory_space<vmem>>[vector<16xi32>], vector<16xf32>,
      %add3A_44 = arith.addf %add3A_33, %gather3A_43 : vector<16xf32>
      %get3A_45 = arith.constant 3 : i32
      %get3A_46 = arith.index_cast %get3A_45 : i32 to index
      %get3A_47 = arith.index_cast %add3A_15 : i32 to index
      %get3A_48 = tpu.vector_load %arg9[%get3A_46, %get3A_47] {strides = array<i32>} : memref<12x512xi32, #tpu.memory_space<vmem>>, vector<16xi32>,
      %gather3A_49 = tpu.vector_load_idx %arg8[%get3A_48] : memref<24576xf32, #tpu.memory_space<vmem>>[vector<16xi32>], vector<16xf32>,
      %add3A_50 = arith.addf %add3A_39, %gather3A_49 : vector<16xf32>
      %add3A_51 = arith.constant 1024 : i32
      %add3A_52 = vector.broadcast %add3A_51 : i32 to vector<16xi32>
      %add3A_53 = arith.addi %get3A_48, %add3A_52 : vector<16xi32>
      %gather3A_54 = tpu.vector_load_idx %arg8[%add3A_53] : memref<24576xf32, #tpu.memory_space<vmem>>[vector<16xi32>], vector<16xf32>,
      %add3A_55 = arith.addf %add3A_44, %gather3A_54 : vector<16xf32>
      %get3A_56 = arith.constant 4 : i32
      %get3A_57 = arith.index_cast %get3A_56 : i32 to index
      %get3A_58 = arith.index_cast %add3A_15 : i32 to index
      %get3A_59 = tpu.vector_load %arg9[%get3A_57, %get3A_58] {strides = array<i32>} : memref<12x512xi32, #tpu.memory_space<vmem>>, vector<16xi32>,
      %gather3A_60 = tpu.vector_load_idx %arg8[%get3A_59] : memref<24576xf32, #tpu.memory_space<vmem>>[vector<16xi32>], vector<16xf32>,
      %add3A_61 = arith.addf %add3A_50, %gather3A_60 : vector<16xf32>
      %add3A_62 = arith.constant 1024 : i32
      %add3A_63 = vector.broadcast %add3A_62 : i32 to vector<16xi32>
      %add3A_64 = arith.addi %get3A_59, %add3A_63 : vector<16xi32>
      %gather3A_65 = tpu.vector_load_idx %arg8[%add3A_64] : memref<24576xf32, #tpu.memory_space<vmem>>[vector<16xi32>], vector<16xf32>,
      %add3A_66 = arith.addf %add3A_55, %gather3A_65 : vector<16xf32>
      %get3A_67 = arith.constant 5 : i32
      %get3A_68 = arith.index_cast %get3A_67 : i32 to index
      %get3A_69 = arith.index_cast %add3A_15 : i32 to index
      %get3A_70 = tpu.vector_load %arg9[%get3A_68, %get3A_69] {strides = array<i32>} : memref<12x512xi32, #tpu.memory_space<vmem>>, vector<16xi32>,
      %gather3A_71 = tpu.vector_load_idx %arg8[%get3A_70] : memref<24576xf32, #tpu.memory_space<vmem>>[vector<16xi32>], vector<16xf32>,
      %add3A_72 = arith.addf %add3A_61, %gather3A_71 : vector<16xf32>
      %add3A_73 = arith.constant 1024 : i32
      %add3A_74 = vector.broadcast %add3A_73 : i32 to vector<16xi32>
      %add3A_75 = arith.addi %get3A_70, %add3A_74 : vector<16xi32>
      %gather3A_76 = tpu.vector_load_idx %arg8[%add3A_75] : memref<24576xf32, #tpu.memory_space<vmem>>[vector<16xi32>], vector<16xf32>,
      %add3A_77 = arith.addf %add3A_66, %gather3A_76 : vector<16xf32>
      %get3A_78 = arith.constant 6 : i32
      %get3A_79 = arith.index_cast %get3A_78 : i32 to index
      %get3A_80 = arith.index_cast %add3A_15 : i32 to index
      %get3A_81 = tpu.vector_load %arg9[%get3A_79, %get3A_80] {strides = array<i32>} : memref<12x512xi32, #tpu.memory_space<vmem>>, vector<16xi32>,
      %gather3A_82 = tpu.vector_load_idx %arg8[%get3A_81] : memref<24576xf32, #tpu.memory_space<vmem>>[vector<16xi32>], vector<16xf32>,
      %add3A_83 = arith.addf %add3A_72, %gather3A_82 : vector<16xf32>
      %add3A_84 = arith.constant 1024 : i32
      %add3A_85 = vector.broadcast %add3A_84 : i32 to vector<16xi32>
      %add3A_86 = arith.addi %get3A_81, %add3A_85 : vector<16xi32>
      %gather3A_87 = tpu.vector_load_idx %arg8[%add3A_86] : memref<24576xf32, #tpu.memory_space<vmem>>[vector<16xi32>], vector<16xf32>,
      %add3A_88 = arith.addf %add3A_77, %gather3A_87 : vector<16xf32>
      %get3A_89 = arith.constant 7 : i32
      %get3A_90 = arith.index_cast %get3A_89 : i32 to index
      %get3A_91 = arith.index_cast %add3A_15 : i32 to index
      %get3A_92 = tpu.vector_load %arg9[%get3A_90, %get3A_91] {strides = array<i32>} : memref<12x512xi32, #tpu.memory_space<vmem>>, vector<16xi32>,
      %gather3A_93 = tpu.vector_load_idx %arg8[%get3A_92] : memref<24576xf32, #tpu.memory_space<vmem>>[vector<16xi32>], vector<16xf32>,
      %add3A_94 = arith.addf %add3A_83, %gather3A_93 : vector<16xf32>
      %add3A_95 = arith.constant 1024 : i32
      %add3A_96 = vector.broadcast %add3A_95 : i32 to vector<16xi32>
      %add3A_97 = arith.addi %get3A_92, %add3A_96 : vector<16xi32>
      %gather3A_98 = tpu.vector_load_idx %arg8[%add3A_97] : memref<24576xf32, #tpu.memory_space<vmem>>[vector<16xi32>], vector<16xf32>,
      %add3A_99 = arith.addf %add3A_88, %gather3A_98 : vector<16xf32>
      %get3A_100 = arith.constant 8 : i32
      %get3A_101 = arith.index_cast %get3A_100 : i32 to index
      %get3A_102 = arith.index_cast %add3A_15 : i32 to index
      %get3A_103 = tpu.vector_load %arg9[%get3A_101, %get3A_102] {strides = array<i32>} : memref<12x512xi32, #tpu.memory_space<vmem>>, vector<16xi32>,
      %gather3A_104 = tpu.vector_load_idx %arg8[%get3A_103] : memref<24576xf32, #tpu.memory_space<vmem>>[vector<16xi32>], vector<16xf32>,
      %add3A_105 = arith.addf %add3A_94, %gather3A_104 : vector<16xf32>
      %add3A_106 = arith.constant 1024 : i32
      %add3A_107 = vector.broadcast %add3A_106 : i32 to vector<16xi32>
      %add3A_108 = arith.addi %get3A_103, %add3A_107 : vector<16xi32>
      %gather3A_109 = tpu.vector_load_idx %arg8[%add3A_108] : memref<24576xf32, #tpu.memory_space<vmem>>[vector<16xi32>], vector<16xf32>,
      %add3A_110 = arith.addf %add3A_99, %gather3A_109 : vector<16xf32>
      %get3A_111 = arith.constant 9 : i32
      %get3A_112 = arith.index_cast %get3A_111 : i32 to index
      %get3A_113 = arith.index_cast %add3A_15 : i32 to index
      %get3A_114 = tpu.vector_load %arg9[%get3A_112, %get3A_113] {strides = array<i32>} : memref<12x512xi32, #tpu.memory_space<vmem>>, vector<16xi32>,
      %gather3A_115 = tpu.vector_load_idx %arg8[%get3A_114] : memref<24576xf32, #tpu.memory_space<vmem>>[vector<16xi32>], vector<16xf32>,
      %add3A_116 = arith.addf %add3A_105, %gather3A_115 : vector<16xf32>
      %add3A_117 = arith.constant 1024 : i32
      %add3A_118 = vector.broadcast %add3A_117 : i32 to vector<16xi32>
      %add3A_119 = arith.addi %get3A_114, %add3A_118 : vector<16xi32>
      %gather3A_120 = tpu.vector_load_idx %arg8[%add3A_119] : memref<24576xf32, #tpu.memory_space<vmem>>[vector<16xi32>], vector<16xf32>,
      %add3A_121 = arith.addf %add3A_110, %gather3A_120 : vector<16xf32>
      %get3A_122 = arith.constant 10 : i32
      %get3A_123 = arith.index_cast %get3A_122 : i32 to index
      %get3A_124 = arith.index_cast %add3A_15 : i32 to index
      %get3A_125 = tpu.vector_load %arg9[%get3A_123, %get3A_124] {strides = array<i32>} : memref<12x512xi32, #tpu.memory_space<vmem>>, vector<16xi32>,
      %gather3A_126 = tpu.vector_load_idx %arg8[%get3A_125] : memref<24576xf32, #tpu.memory_space<vmem>>[vector<16xi32>], vector<16xf32>,
      %add3A_127 = arith.addf %add3A_116, %gather3A_126 : vector<16xf32>
      %add3A_128 = arith.constant 1024 : i32
      %add3A_129 = vector.broadcast %add3A_128 : i32 to vector<16xi32>
      %add3A_130 = arith.addi %get3A_125, %add3A_129 : vector<16xi32>
      %gather3A_131 = tpu.vector_load_idx %arg8[%add3A_130] : memref<24576xf32, #tpu.memory_space<vmem>>[vector<16xi32>], vector<16xf32>,
      %add3A_132 = arith.addf %add3A_121, %gather3A_131 : vector<16xf32>
      %get3A_133 = arith.constant 11 : i32
      %get3A_134 = arith.index_cast %get3A_133 : i32 to index
      %get3A_135 = arith.index_cast %add3A_15 : i32 to index
      %get3A_136 = tpu.vector_load %arg9[%get3A_134, %get3A_135] {strides = array<i32>} : memref<12x512xi32, #tpu.memory_space<vmem>>, vector<16xi32>,
      %gather3A_137 = tpu.vector_load_idx %arg8[%get3A_136] : memref<24576xf32, #tpu.memory_space<vmem>>[vector<16xi32>], vector<16xf32>,
      %add3A_138 = arith.addf %add3A_127, %gather3A_137 : vector<16xf32>
      %add3A_139 = arith.constant 1024 : i32
      %add3A_140 = vector.broadcast %add3A_139 : i32 to vector<16xi32>
      %add3A_141 = arith.addi %get3A_136, %add3A_140 : vector<16xi32>
      %gather3A_142 = tpu.vector_load_idx %arg8[%add3A_141] : memref<24576xf32, #tpu.memory_space<vmem>>[vector<16xi32>], vector<16xf32>,
      %add3A_143 = arith.addf %add3A_132, %gather3A_142 : vector<16xf32>
      %get3A_144 = arith.constant 0 : i32
      %get3A_145 = arith.index_cast %get3A_144 : i32 to index
      %get3A_146 = arith.index_cast %add3A_15 : i32 to index
      %get3A_147 = tpu.vector_load %arg10[%get3A_145, %get3A_146] {strides = array<i32>} : memref<2x512xf32, #tpu.memory_space<vmem>>, vector<16xf32>,
      %add3A_148 = arith.addf %add3A_138, %get3A_147 : vector<16xf32>
      %get3A_149 = arith.constant 1 : i32
      %get3A_150 = arith.index_cast %get3A_149 : i32 to index
      %get3A_151 = arith.index_cast %add3A_15 : i32 to index
      %get3A_152 = tpu.vector_load %arg10[%get3A_150, %get3A_151] {strides = array<i32>} : memref<2x512xf32, #tpu.memory_space<vmem>>, vector<16xf32>,
      %add3A_153 = arith.addf %add3A_143, %get3A_152 : vector<16xf32>
      %max3A = arith.maximumf %add3A_148, %add3A_153 : vector<16xf32>
      %sub3A = arith.subf %add3A_148, %max3A : vector<16xf32>
      %exp3A = math.exp %sub3A : vector<16xf32>
      %sub3A_154 = arith.subf %add3A_153, %max3A : vector<16xf32>
      %exp3A_155 = math.exp %sub3A_154 : vector<16xf32>
      %add3A_156 = arith.addf %exp3A, %exp3A_155 : vector<16xf32>
      %mul3A_157 = arith.constant 2 : i32
      %mul3A_158 = arith.muli %mul3A_157, %add3A_15 : i32
      %iota3A = tpu.iota {dimensions = array<i32: 0>} : vector<16xi32>
      %mul3A_159 = arith.constant 2 : i32
      %mul3A_160 = vector.broadcast %mul3A_159 : i32 to vector<16xi32>
      %mul3A_161 = arith.muli %mul3A_160, %iota3A : vector<16xi32>
      %add3A_162 = vector.broadcast %mul3A_158 : i32 to vector<16xi32>
      %add3A_163 = arith.addi %add3A_162, %mul3A_161 : vector<16xi32>
      tpu.vector_store_idx %arg11[%add3A_163], %add3A_148 : memref<1024xf32, #tpu.memory_space<vmem>>[vector<16xi32>], vector<16xf32>,
      %add3A_164 = arith.constant 1 : i32
      %add3A_165 = vector.broadcast %add3A_164 : i32 to vector<16xi32>
      %add3A_166 = arith.addi %add3A_163, %add3A_165 : vector<16xi32>
      tpu.vector_store_idx %arg11[%add3A_166], %add3A_153 : memref<1024xf32, #tpu.memory_space<vmem>>[vector<16xi32>], vector<16xf32>,
      %div3A = arith.divf %exp3A, %add3A_156 : vector<16xf32>
      tpu.vector_store_idx %arg12[%add3A_163], %div3A : memref<1024xf32, #tpu.memory_space<vmem>>[vector<16xi32>], vector<16xf32>,
      %add3A_167 = arith.constant 1 : i32
      %add3A_168 = vector.broadcast %add3A_167 : i32 to vector<16xi32>
      %add3A_169 = arith.addi %add3A_163, %add3A_168 : vector<16xi32>
      %div3A_170 = arith.divf %exp3A_155, %add3A_156 : vector<16xf32>
      tpu.vector_store_idx %arg12[%add3A_169], %div3A_170 : memref<1024xf32, #tpu.memory_space<vmem>>[vector<16xi32>], vector<16xf32>,
      %gt3A = arith.cmpf ogt, %add3A_153, %add3A_148 : vector<16xf32>
      %jit3A = arith.constant 1 : i32
      %jit3A_171 = arith.constant 0 : i32
      %broadcast_in_dim3A = vector.broadcast %jit3A : i32 to vector<16xi32>
      %broadcast_in_dim3A_172 = vector.broadcast %jit3A_171 : i32 to vector<16xi32>
      %select_n3A = arith.select %gt3A, %broadcast_in_dim3A, %broadcast_in_dim3A_172 : vector<16xi1>, vector<16xi32>
      %swap3A = arith.index_cast %add3A_15 : i32 to index
      %swap3A_173 = tpu.vector_load %arg13[%swap3A] {strides = array<i32>} : memref<512xi32, #tpu.memory_space<vmem>>, vector<16xi32>,
      tpu.vector_store %arg13[%swap3A], %select_n3A {strides = array<i32>} : memref<512xi32, #tpu.memory_space<vmem>>, vector<16xi32>,
    }
    %scan3A_6 = arith.constant 32 : i32
    %mul3A_7 = arith.constant 2 : i32
    %mul3A_8 = arith.muli %mul3A_7, %mul3A_2 : i32
    "tpu.region"() ({
      %run_scoped3A = tpu.sem_alloc : memref<!tpu.dma_semaphore, #tpu.memory_space<semaphore_mem>>
      %dma_start3A = tpu.memref_slice %arg5[%mul3A_8] : memref<32768xf32, #tpu.memory_space<hbm>> -> memref<1024xf32, #tpu.memory_space<hbm>>
      %dma_start3A_11 = tpu.memref_slice %arg5[%mul3A_8] : memref<32768xf32, #tpu.memory_space<hbm>> -> memref<1024xf32, #tpu.memory_space<hbm>>
      tpu.enqueue_dma source(%arg11 : memref<1024xf32, #tpu.memory_space<vmem>>) target(%dma_start3A_11 : memref<1024xf32, #tpu.memory_space<hbm>>) target_semaphore(%run_scoped3A : memref<!tpu.dma_semaphore, #tpu.memory_space<semaphore_mem>>)
      %dma_wait3A = tpu.memref_slice %arg5[%mul3A_8] : memref<32768xf32, #tpu.memory_space<hbm>> -> memref<1024xf32, #tpu.memory_space<hbm>>
      %dma_wait3A_12 = tpu.memref_slice %arg5[%mul3A_8] : memref<32768xf32, #tpu.memory_space<hbm>> -> memref<1024xf32, #tpu.memory_space<hbm>>
      tpu.wait_dma2 semaphore(%run_scoped3A : memref<!tpu.dma_semaphore, #tpu.memory_space<semaphore_mem>>) src(%arg11 : memref<1024xf32, #tpu.memory_space<vmem>>) dst(%dma_wait3A_12 : memref<1024xf32, #tpu.memory_space<hbm>>)
      tpu.yield
    }) : () -> ()
    %mul3A_9 = arith.constant 2 : i32
    %mul3A_10 = arith.muli %mul3A_9, %mul3A_2 : i32
    "tpu.region"() ({
      %run_scoped3A = tpu.sem_alloc : memref<!tpu.dma_semaphore, #tpu.memory_space<semaphore_mem>>
      %dma_start3A = tpu.memref_slice %arg6[%mul3A_10] : memref<32768xf32, #tpu.memory_space<hbm>> -> memref<1024xf32, #tpu.memory_space<hbm>>
      %dma_start3A_11 = tpu.memref_slice %arg6[%mul3A_10] : memref<32768xf32, #tpu.memory_space<hbm>> -> memref<1024xf32, #tpu.memory_space<hbm>>
      tpu.enqueue_dma source(%arg12 : memref<1024xf32, #tpu.memory_space<vmem>>) target(%dma_start3A_11 : memref<1024xf32, #tpu.memory_space<hbm>>) target_semaphore(%run_scoped3A : memref<!tpu.dma_semaphore, #tpu.memory_space<semaphore_mem>>)
      %dma_wait3A = tpu.memref_slice %arg6[%mul3A_10] : memref<32768xf32, #tpu.memory_space<hbm>> -> memref<1024xf32, #tpu.memory_space<hbm>>
      %dma_wait3A_12 = tpu.memref_slice %arg6[%mul3A_10] : memref<32768xf32, #tpu.memory_space<hbm>> -> memref<1024xf32, #tpu.memory_space<hbm>>
      tpu.wait_dma2 semaphore(%run_scoped3A : memref<!tpu.dma_semaphore, #tpu.memory_space<semaphore_mem>>) src(%arg12 : memref<1024xf32, #tpu.memory_space<vmem>>) dst(%dma_wait3A_12 : memref<1024xf32, #tpu.memory_space<hbm>>)
      tpu.yield
    }) : () -> ()
    "tpu.region"() ({
      %run_scoped3A = tpu.sem_alloc : memref<!tpu.dma_semaphore, #tpu.memory_space<semaphore_mem>>
      %dma_start3A = tpu.memref_slice %arg7[%mul3A_2] : memref<16384xi32, #tpu.memory_space<hbm>> -> memref<512xi32, #tpu.memory_space<hbm>>
      %dma_start3A_11 = tpu.memref_slice %arg7[%mul3A_2] : memref<16384xi32, #tpu.memory_space<hbm>> -> memref<512xi32, #tpu.memory_space<hbm>>
      tpu.enqueue_dma source(%arg13 : memref<512xi32, #tpu.memory_space<vmem>>) target(%dma_start3A_11 : memref<512xi32, #tpu.memory_space<hbm>>) target_semaphore(%run_scoped3A : memref<!tpu.dma_semaphore, #tpu.memory_space<semaphore_mem>>)
      %dma_wait3A = tpu.memref_slice %arg7[%mul3A_2] : memref<16384xi32, #tpu.memory_space<hbm>> -> memref<512xi32, #tpu.memory_space<hbm>>
      %dma_wait3A_12 = tpu.memref_slice %arg7[%mul3A_2] : memref<16384xi32, #tpu.memory_space<hbm>> -> memref<512xi32, #tpu.memory_space<hbm>>
      tpu.wait_dma2 semaphore(%run_scoped3A : memref<!tpu.dma_semaphore, #tpu.memory_space<semaphore_mem>>) src(%arg13 : memref<512xi32, #tpu.memory_space<vmem>>) dst(%dma_wait3A_12 : memref<512xi32, #tpu.memory_space<hbm>>)
      tpu.yield
    }) : () -> ()
    return
  }
}

module attributes {stable_mosaic.version = 14 : i64} {
  func.func @_prep_body(%arg0: memref<8x1024xf32, #tpu.memory_space<vmem>>, %arg1: memref<24x8xf32, #tpu.memory_space<vmem>>, %arg2: memref<2x5xf32, #tpu.memory_space<vmem>>, %arg3: memref<4x16384xf32, #tpu.memory_space<vmem>>, %arg4: memref<24x1024xf32, #tpu.memory_space<vmem>>, %arg5: memref<2x16384xf32, #tpu.memory_space<vmem>>) attributes {dimension_semantics = [], scalar_prefetch = 0 : i64, scratch_operands = 0 : i64, tpu.core_type = #tpu.core_type<tc>} {
    %get3A = arith.constant 0 : index
    %get3A_0 = arith.constant 0 : index
    %get3A_1 = vector.load %arg1[%get3A, %get3A_0] : memref<24x8xf32, #tpu.memory_space<vmem>>, vector<24x8xf32>
    %convert_element_type3A = arith.truncf %get3A_1 : vector<24x8xf32> to vector<24x8xbf16>
    %convert_element_type3A_2 = arith.extf %convert_element_type3A : vector<24x8xbf16> to vector<24x8xf32>
    %get3A_3 = arith.constant 0 : index
    %get3A_4 = arith.constant 0 : index
    %get3A_5 = vector.load %arg0[%get3A_3, %get3A_4] : memref<8x1024xf32, #tpu.memory_space<vmem>>, vector<8x1024xf32>
    %convert_element_type3A_6 = arith.truncf %get3A_5 : vector<8x1024xf32> to vector<8x1024xbf16>
    %convert_element_type3A_7 = arith.extf %convert_element_type3A_6 : vector<8x1024xbf16> to vector<8x1024xf32>
    %slice3A = vector.extract_strided_slice %convert_element_type3A_2 {offsets = [0, 0], sizes = [24, 1], strides = [1, 1]} : vector<24x8xf32> to vector<24x1xf32>
    %slice3A_8 = vector.extract_strided_slice %convert_element_type3A_7 {offsets = [0, 0], sizes = [1, 1024], strides = [1, 1]} : vector<8x1024xf32> to vector<1x1024xf32>
    %mul3A = vector.broadcast %slice3A : vector<24x1xf32> to vector<24x1024xf32>
    %mul3A_9 = vector.broadcast %slice3A_8 : vector<1x1024xf32> to vector<24x1024xf32>
    %mul3A_10 = arith.mulf %mul3A, %mul3A_9 : vector<24x1024xf32>
    %slice3A_11 = vector.extract_strided_slice %convert_element_type3A_2 {offsets = [0, 1], sizes = [24, 1], strides = [1, 1]} : vector<24x8xf32> to vector<24x1xf32>
    %slice3A_12 = vector.extract_strided_slice %convert_element_type3A_7 {offsets = [1, 0], sizes = [1, 1024], strides = [1, 1]} : vector<8x1024xf32> to vector<1x1024xf32>
    %mul3A_13 = vector.broadcast %slice3A_11 : vector<24x1xf32> to vector<24x1024xf32>
    %mul3A_14 = vector.broadcast %slice3A_12 : vector<1x1024xf32> to vector<24x1024xf32>
    %mul3A_15 = arith.mulf %mul3A_13, %mul3A_14 : vector<24x1024xf32>
    %add3A = arith.addf %mul3A_10, %mul3A_15 : vector<24x1024xf32>
    %slice3A_16 = vector.extract_strided_slice %convert_element_type3A_2 {offsets = [0, 2], sizes = [24, 1], strides = [1, 1]} : vector<24x8xf32> to vector<24x1xf32>
    %slice3A_17 = vector.extract_strided_slice %convert_element_type3A_7 {offsets = [2, 0], sizes = [1, 1024], strides = [1, 1]} : vector<8x1024xf32> to vector<1x1024xf32>
    %mul3A_18 = vector.broadcast %slice3A_16 : vector<24x1xf32> to vector<24x1024xf32>
    %mul3A_19 = vector.broadcast %slice3A_17 : vector<1x1024xf32> to vector<24x1024xf32>
    %mul3A_20 = arith.mulf %mul3A_18, %mul3A_19 : vector<24x1024xf32>
    %add3A_21 = arith.addf %add3A, %mul3A_20 : vector<24x1024xf32>
    %slice3A_22 = vector.extract_strided_slice %convert_element_type3A_2 {offsets = [0, 3], sizes = [24, 1], strides = [1, 1]} : vector<24x8xf32> to vector<24x1xf32>
    %slice3A_23 = vector.extract_strided_slice %convert_element_type3A_7 {offsets = [3, 0], sizes = [1, 1024], strides = [1, 1]} : vector<8x1024xf32> to vector<1x1024xf32>
    %mul3A_24 = vector.broadcast %slice3A_22 : vector<24x1xf32> to vector<24x1024xf32>
    %mul3A_25 = vector.broadcast %slice3A_23 : vector<1x1024xf32> to vector<24x1024xf32>
    %mul3A_26 = arith.mulf %mul3A_24, %mul3A_25 : vector<24x1024xf32>
    %add3A_27 = arith.addf %add3A_21, %mul3A_26 : vector<24x1024xf32>
    %slice3A_28 = vector.extract_strided_slice %convert_element_type3A_2 {offsets = [0, 4], sizes = [24, 1], strides = [1, 1]} : vector<24x8xf32> to vector<24x1xf32>
    %slice3A_29 = vector.extract_strided_slice %convert_element_type3A_7 {offsets = [4, 0], sizes = [1, 1024], strides = [1, 1]} : vector<8x1024xf32> to vector<1x1024xf32>
    %mul3A_30 = vector.broadcast %slice3A_28 : vector<24x1xf32> to vector<24x1024xf32>
    %mul3A_31 = vector.broadcast %slice3A_29 : vector<1x1024xf32> to vector<24x1024xf32>
    %mul3A_32 = arith.mulf %mul3A_30, %mul3A_31 : vector<24x1024xf32>
    %add3A_33 = arith.addf %add3A_27, %mul3A_32 : vector<24x1024xf32>
    %slice3A_34 = vector.extract_strided_slice %convert_element_type3A_2 {offsets = [0, 5], sizes = [24, 1], strides = [1, 1]} : vector<24x8xf32> to vector<24x1xf32>
    %slice3A_35 = vector.extract_strided_slice %convert_element_type3A_7 {offsets = [5, 0], sizes = [1, 1024], strides = [1, 1]} : vector<8x1024xf32> to vector<1x1024xf32>
    %mul3A_36 = vector.broadcast %slice3A_34 : vector<24x1xf32> to vector<24x1024xf32>
    %mul3A_37 = vector.broadcast %slice3A_35 : vector<1x1024xf32> to vector<24x1024xf32>
    %mul3A_38 = arith.mulf %mul3A_36, %mul3A_37 : vector<24x1024xf32>
    %add3A_39 = arith.addf %add3A_33, %mul3A_38 : vector<24x1024xf32>
    %slice3A_40 = vector.extract_strided_slice %convert_element_type3A_2 {offsets = [0, 6], sizes = [24, 1], strides = [1, 1]} : vector<24x8xf32> to vector<24x1xf32>
    %slice3A_41 = vector.extract_strided_slice %convert_element_type3A_7 {offsets = [6, 0], sizes = [1, 1024], strides = [1, 1]} : vector<8x1024xf32> to vector<1x1024xf32>
    %mul3A_42 = vector.broadcast %slice3A_40 : vector<24x1xf32> to vector<24x1024xf32>
    %mul3A_43 = vector.broadcast %slice3A_41 : vector<1x1024xf32> to vector<24x1024xf32>
    %mul3A_44 = arith.mulf %mul3A_42, %mul3A_43 : vector<24x1024xf32>
    %add3A_45 = arith.addf %add3A_39, %mul3A_44 : vector<24x1024xf32>
    %slice3A_46 = vector.extract_strided_slice %convert_element_type3A_2 {offsets = [0, 7], sizes = [24, 1], strides = [1, 1]} : vector<24x8xf32> to vector<24x1xf32>
    %slice3A_47 = vector.extract_strided_slice %convert_element_type3A_7 {offsets = [7, 0], sizes = [1, 1024], strides = [1, 1]} : vector<8x1024xf32> to vector<1x1024xf32>
    %mul3A_48 = vector.broadcast %slice3A_46 : vector<24x1xf32> to vector<24x1024xf32>
    %mul3A_49 = vector.broadcast %slice3A_47 : vector<1x1024xf32> to vector<24x1024xf32>
    %mul3A_50 = arith.mulf %mul3A_48, %mul3A_49 : vector<24x1024xf32>
    %add3A_51 = arith.addf %add3A_45, %mul3A_50 : vector<24x1024xf32>
    %swap3A = arith.constant 0 : index
    %swap3A_52 = arith.constant 0 : index
    %swap3A_53 = vector.load %arg4[%swap3A, %swap3A_52] : memref<24x1024xf32, #tpu.memory_space<vmem>>, vector<24x1024xf32>
    tpu.vector_store %arg4[%swap3A, %swap3A_52], %add3A_51 {strides = array<i32>} : memref<24x1024xf32, #tpu.memory_space<vmem>>, vector<24x1024xf32>,
    %get3A_54 = arith.constant 0 : index
    %get3A_55 = arith.constant 0 : index
    %get3A_56 = vector.load %arg2[%get3A_54, %get3A_55] : memref<2x5xf32, #tpu.memory_space<vmem>>, vector<2x5xf32>
    %convert_element_type3A_57 = arith.truncf %get3A_56 : vector<2x5xf32> to vector<2x5xbf16>
    %convert_element_type3A_58 = arith.extf %convert_element_type3A_57 : vector<2x5xbf16> to vector<2x5xf32>
    %get3A_59 = arith.constant 0 : index
    %get3A_60 = arith.constant 0 : index
    %get3A_61 = vector.load %arg3[%get3A_59, %get3A_60] : memref<4x16384xf32, #tpu.memory_space<vmem>>, vector<4x16384xf32>
    %convert_element_type3A_62 = arith.truncf %get3A_61 : vector<4x16384xf32> to vector<4x16384xbf16>
    %convert_element_type3A_63 = arith.extf %convert_element_type3A_62 : vector<4x16384xbf16> to vector<4x16384xf32>
    %get3A_64 = arith.constant 0 : index
    %get3A_65 = arith.constant 4 : index
    %get3A_66 = vector.load %arg2[%get3A_64, %get3A_65] : memref<2x5xf32, #tpu.memory_space<vmem>>, vector<2x1xf32>
    %broadcast_in_dim3A = vector.shape_cast %get3A_66 : vector<2x1xf32> to vector<2x1xf32>
    %broadcast_in_dim3A_67 = vector.broadcast %broadcast_in_dim3A : vector<2x1xf32> to vector<2x16384xf32>
    %slice3A_68 = vector.extract_strided_slice %convert_element_type3A_58 {offsets = [0, 0], sizes = [2, 1], strides = [1, 1]} : vector<2x5xf32> to vector<2x1xf32>
    %slice3A_69 = vector.extract_strided_slice %convert_element_type3A_63 {offsets = [0, 0], sizes = [1, 16384], strides = [1, 1]} : vector<4x16384xf32> to vector<1x16384xf32>
    %mul3A_70 = vector.broadcast %slice3A_68 : vector<2x1xf32> to vector<2x16384xf32>
    %mul3A_71 = vector.broadcast %slice3A_69 : vector<1x16384xf32> to vector<2x16384xf32>
    %mul3A_72 = arith.mulf %mul3A_70, %mul3A_71 : vector<2x16384xf32>
    %add3A_73 = arith.addf %broadcast_in_dim3A_67, %mul3A_72 : vector<2x16384xf32>
    %slice3A_74 = vector.extract_strided_slice %convert_element_type3A_58 {offsets = [0, 1], sizes = [2, 1], strides = [1, 1]} : vector<2x5xf32> to vector<2x1xf32>
    %slice3A_75 = vector.extract_strided_slice %convert_element_type3A_63 {offsets = [1, 0], sizes = [1, 16384], strides = [1, 1]} : vector<4x16384xf32> to vector<1x16384xf32>
    %mul3A_76 = vector.broadcast %slice3A_74 : vector<2x1xf32> to vector<2x16384xf32>
    %mul3A_77 = vector.broadcast %slice3A_75 : vector<1x16384xf32> to vector<2x16384xf32>
    %mul3A_78 = arith.mulf %mul3A_76, %mul3A_77 : vector<2x16384xf32>
    %add3A_79 = arith.addf %add3A_73, %mul3A_78 : vector<2x16384xf32>
    %slice3A_80 = vector.extract_strided_slice %convert_element_type3A_58 {offsets = [0, 2], sizes = [2, 1], strides = [1, 1]} : vector<2x5xf32> to vector<2x1xf32>
    %slice3A_81 = vector.extract_strided_slice %convert_element_type3A_63 {offsets = [2, 0], sizes = [1, 16384], strides = [1, 1]} : vector<4x16384xf32> to vector<1x16384xf32>
    %mul3A_82 = vector.broadcast %slice3A_80 : vector<2x1xf32> to vector<2x16384xf32>
    %mul3A_83 = vector.broadcast %slice3A_81 : vector<1x16384xf32> to vector<2x16384xf32>
    %mul3A_84 = arith.mulf %mul3A_82, %mul3A_83 : vector<2x16384xf32>
    %add3A_85 = arith.addf %add3A_79, %mul3A_84 : vector<2x16384xf32>
    %slice3A_86 = vector.extract_strided_slice %convert_element_type3A_58 {offsets = [0, 3], sizes = [2, 1], strides = [1, 1]} : vector<2x5xf32> to vector<2x1xf32>
    %slice3A_87 = vector.extract_strided_slice %convert_element_type3A_63 {offsets = [3, 0], sizes = [1, 16384], strides = [1, 1]} : vector<4x16384xf32> to vector<1x16384xf32>
    %mul3A_88 = vector.broadcast %slice3A_86 : vector<2x1xf32> to vector<2x16384xf32>
    %mul3A_89 = vector.broadcast %slice3A_87 : vector<1x16384xf32> to vector<2x16384xf32>
    %mul3A_90 = arith.mulf %mul3A_88, %mul3A_89 : vector<2x16384xf32>
    %add3A_91 = arith.addf %add3A_85, %mul3A_90 : vector<2x16384xf32>
    %swap3A_92 = arith.constant 0 : index
    %swap3A_93 = arith.constant 0 : index
    %swap3A_94 = vector.load %arg5[%swap3A_92, %swap3A_93] : memref<2x16384xf32, #tpu.memory_space<vmem>>, vector<2x16384xf32>
    tpu.vector_store %arg5[%swap3A_92, %swap3A_93], %add3A_91 {strides = array<i32>} : memref<2x16384xf32, #tpu.memory_space<vmem>>, vector<2x16384xf32>,
    return
  }
}

</mosaic_0001>

<sc_bundles>
// kernel: kernel.4.cloned.1.call-start
scs
__scs_entry_jumppad:
0x0: {  	(pc) =	sbr.rel $0x88, $3  }
0x1: {  	(tag) =	ssettag $0x0;
	lr =	simm.s32 $0x1  }
0x2: {  	[smem:$0x3F9B] =	sst lr;
	_ =	strace $0xD0000000  }
0x3: {  	_ = 	snop  }
0x4: {  	_ = 	snop  }
0x5: {  	_ = 	snop  }
0x6: {  	_ = 	snop  }
0x7: {  	_ = 	snop  }
__scs_overlays_trampoline_lowered:
0x8: {  	[smem:$0x3FAA] =	sst s0  }
0x9: {  	[smem:$0x3FAB] =	sst s1  }
0xa: {  	[smem:$0x3FAC] =	sst s2  }
0xb: {  	[smem:$0x3FAD] =	sst s3  }
0xc: {  	[smem:$0x3FAE] =	sst s4  }
0xd: {  	[smem:$0x3FAF] =	sst s5  }
0xe: {  	[smem:$0x3FB0] =	sst s6  }
0xf: {  	[smem:$0x3FB1] =	sst s7  }
0x10: {  	[smem:$0x3FB2] =	sst s8  }
0x11: {  	[smem:$0x3FB3] =	sst s9;
	s0 =	simm.s32 @!p0 $0x0  }
0x12: {  	s1 =	sld [smem:$0x3F99];
	s0 =	simm.s32 @p0 $0x1  }
0x13: {  	[smem:$0x3FB4] =	sst s0;
	s0 =	simm.s32 @!p1 $0x0  }
0x14: {  	s2 =	sld [smem:$0x3F98];
	s0 =	simm.s32 @p1 $0x1  }
0x15: {  	[smem:$0x3FB5] =	sst s0;
	s0 =	simm.s32 @!p2 $0x0  }
0x16: {  	s3 =	sld [smem:$0x3FDB];
	s0 =	simm.s32 @p2 $0x1  }
0x17: {  	s4 =	simm.s32 $0x1BF5;
	[smem:$0x3FB7] =	sst s0  }
0x18: {  	s0 =	sld [smem:$0x3F9A];
	_ =	swait.ge [sflag:s4], $0x0  }
0x19: {  	s7 =	sld [smem:$0x3F9B]  }
0x1a: {  	s8 =	sadd.s32 $0xFFFFE003, lr  }
0x1b: {  	s9 =	sadd.s32 $0xFFFFFEF7, lr;
	s5 =	simm.s32 $0xFFFFFFFF;
	p2 =	slt.u32 s8, $0xFFFFF086  }
0x1c: {  	p1 =	slt.u32 s9, $0xF7A;
	s5 =	simm.s32 @!p2 $0x0  }
0x1d: {  	s5 =	simm.s32 @p1 $0x1;
	p0 =	seq.s32 s7, s2  }
0x1e: {  	s7 =	smul.u32 @!p0 $0xF7A, s2;
	p2 =	seq.s32 @!p0 s5, $0x0  }
0x1f: {  	s9 =	smul.u32 $0xF7A, s1;
	s8 =	simm.s32 @!p0 $0x1BF5;
	p2 =	por !p2, p0  }
0x20: {  	[sflag:s8] =	ssyncset.s32 @!p0 $0xFFFFF086;
	s6 =	sadd.s32 @!p0 s3, s7;
	s7 =	simm.s32 @!p0 $0x108  }
0x21: {  	s3 =	sadd.s32 s3, s9;
	s6 =	sadd.s32 @!p0 $0x88, s6;
	s7 =	simm.s32 @p2 $0x1082  }
0x22: {  	[simem:s7], [sflag:s8] =	dma.local @!p0 [hbm:s6], $0xF7A  }
0x23: {  	s9 =	sor.u32 $0xD0000000, s2;
	s6 =	simm.s32 $0x108;
	_ =	swait.ge @!p0 [sflag:s8], $0x0  }
0x24: {  	s3 =	sadd.s32 $0x88, s3;
	s6 =	simm.s32 @!p1 $0x1082;
	[sflag:s4] =	ssyncset.s32 $0xFFFFF086  }
0x25: {  	[simem:s6], [sflag:s4] =	dma.local [hbm:s3], $0xF7A  }
0x26: {  	[smem:$0x3F9B] =	sst s1;
	(tag) =	ssettag s2;
	_ =	strace s9  }
0x27: {  	s1 =	sld [smem:$0x3FAB]  }
0x28: {  	s2 =	sld [smem:$0x3FAC]  }
0x29: {  	s4 =	sld [smem:$0x3FAE]  }
0x2a: {  	p0 =	seq.s32 s5, $0x0;
	s5 =	sld [smem:$0x3FAF]  }
0x2b: {  	s6 =	sld [smem:$0x3FB0]  }
0x2c: {  	s7 =	sld [smem:$0x3FB1]  }
0x2d: {  	s3 =	simm.s32 $0x108;
	s8 =	sld [smem:$0x3FB2]  }
0x2e: {  	s3 =	simm.s32 @!p0 $0x1082;
	s9 =	sld [smem:$0x3FB3]  }
0x2f: {  	lr =	sadd.s32 s0, s3;
	s0 =	sld [smem:$0x3FAA]  }
0x30: {  	s3 =	sld [smem:$0x3FAD]  }
0x31: {  	[smem:$0x3FB6] =	sst s10  }
0x32: {  	s10 =	sld [smem:$0x3FB4];
	_ =	sdelay $0x3  }
0x33: {  	p0 =	seq.s32 s10, $0x1;
	s10 =	sld [smem:$0x3FB6];
	_ =	sdelay $0x3  }
0x34: {  	[smem:$0x3FB6] =	sst s10  }
0x35: {  	s10 =	sld [smem:$0x3FB5];
	_ =	sdelay $0x3  }
0x36: {  	p1 =	seq.s32 s10, $0x1;
	s10 =	sld [smem:$0x3FB6];
	_ =	sdelay $0x3  }
0x37: {  	[smem:$0x3FB6] =	sst s10  }
0x38: {  	s10 =	sld [smem:$0x3FB7]  }
0x39: {  	_ = 	snop;
	(pc) =	sbr.ind lr, $3  }
0x3a: {  	_ = 	snop  }
0x3b: {  	_ = 	snop  }
0x3c: {  	p2 =	seq.s32 s10, $0x1;
	s10 =	sld [smem:$0x3FB6]  }
0x3d: {  	_ =	shalt  }
0x3e: {  	_ =	shalt  }
0x3f: {  	_ =	shalt  }
0x40: {  	_ =	shalt  }
0x41: {  	_ =	shalt  }
0x42: {  	_ =	shalt  }
0x43: {  	_ =	shalt  }
0x44: {  	_ =	shalt  }
0x45: {  	_ =	shalt  }
0x46: {  	_ =	shalt  }
0x47: {  	_ =	shalt  }
0x48: {  	_ =	shalt  }
0x49: {  	_ =	shalt  }
0x4a: {  	_ =	shalt  }
0x4b: {  	_ =	shalt  }
0x4c: {  	_ =	shalt  }
0x4d: {  	_ =	shalt  }
0x4e: {  	_ =	shalt  }
0x4f: {  	_ =	shalt  }
0x50: {  	_ =	shalt  }
0x51: {  	_ =	shalt  }
0x52: {  	_ =	shalt  }
0x53: {  	_ =	shalt  }
0x54: {  	_ =	shalt  }
0x55: {  	_ =	shalt  }
0x56: {  	_ =	shalt  }
0x57: {  	_ =	shalt  }
0x58: {  	_ =	shalt  }
0x59: {  	_ =	shalt  }
0x5a: {  	_ =	shalt  }
0x5b: {  	_ =	shalt  }
0x5c: {  	_ =	shalt  }
0x5d: {  	_ =	shalt  }
0x5e: {  	_ =	shalt  }
0x5f: {  	_ =	shalt  }
0x60: {  	_ =	shalt  }
0x61: {  	_ =	shalt  }
0x62: {  	_ =	shalt  }
0x63: {  	_ =	shalt  }
0x64: {  	_ =	shalt  }
0x65: {  	_ =	shalt  }
0x66: {  	_ =	shalt  }
0x67: {  	_ =	shalt  }
0x68: {  	_ =	shalt  }
0x69: {  	_ =	shalt  }
0x6a: {  	_ =	shalt  }
0x6b: {  	_ =	shalt  }
0x6c: {  	_ =	shalt  }
0x6d: {  	_ =	shalt  }
0x6e: {  	_ =	shalt  }
0x6f: {  	_ =	shalt  }
0x70: {  	_ =	shalt  }
0x71: {  	_ =	shalt  }
0x72: {  	_ =	shalt  }
0x73: {  	_ =	shalt  }
0x74: {  	_ =	shalt  }
0x75: {  	_ =	shalt  }
0x76: {  	_ =	shalt  }
0x77: {  	_ =	shalt  }
0x78: {  	_ =	shalt  }
0x79: {  	_ =	shalt  }
0x7a: {  	_ =	shalt  }
0x7b: {  	_ =	shalt  }
0x7c: {  	_ =	shalt  }
0x7d: {  	_ =	shalt  }
0x7e: {  	_ =	shalt  }
0x7f: {  	_ =	shalt  }
0x80: {  	_ =	shalt  }
0x81: {  	_ =	shalt  }
0x82: {  	_ =	shalt  }
0x83: {  	_ =	shalt  }
0x84: {  	_ =	shalt  }
0x85: {  	_ =	shalt  }
0x86: {  	_ =	shalt  }
0x87: {  	_ =	shalt  }
.Lfunc_end0:
.L_simem_size_0:
called_computation_lowered:
.L_overlay_start_0:
0x88: {  	s2 =	sld [smem:$0x3FD9]  }
0x89: {  	s3 =	sld [smem:$0x3FFE];
	_ =	sdelay $0x1  }
0x8a: {  	s1 =	srdreg.scid  }
0x8b: {  	s0 =	sand.u32 $0x1, s1  }
0x8c: {  	s14 =	sshll.u32 s0, $0xA;
	s2 =	sadd.s32 s3, s2  }
0x8d: {  	s2 =	sadd.s32 s2, s14  }
0x8e: {  	[smem:$0x3FC2] =	sst s2  }
0x8f: {  	_ = 	snop  }
0x90: {  	s2 =	sld [smem:$0x3FD0];
	_ =	sdelay $0x2  }
0x91: {  	s15 =	simm.s32 $0xA;
	s4 =	simm.s32 $0x10  }
0x92: {  	[smem:s4], [sflag:s15] =	dma.local [hbm:s2], $0x1  }
0x93: {  	_ =	swait.eq [sflag:s15], $0x1  }
0x94: {  	s16 =	sld [smem:$0x10];
	[sflag:s15] =	ssyncset.done $0x0  }
0x95: {  	s17 =	sld [smem:$0x11];
	[sflag:s15] =	ssyncadd.s32 $0xFFFFFFFF  }
0x96: {  	s18 =	sld [smem:$0x12];
	(tm) =	ssettm $0x1  }
0x97: {  	s5 =	sld [smem:$0x3FFB];
	_ =	sdelay $0x3  }
0x98: {  	_ =	strace s5  }
0x99: {  	s5 =	sld [smem:$0x3FFC];
	_ =	sdelay $0x3  }
0x9a: {  	_ =	strace s5  }
0x9b: {  	s5 =	sld [smem:$0x3FFD];
	_ =	sdelay $0x3  }
0x9c: {  	_ =	strace s5  }
0x9d: {  	_ =	strace $0x8FFFFFFF  }
0x9e: {  	s19 =	sld [smem:$0x3FDB];
	_ =	sdelay $0x1  }
0x9f: {  	s6 =	simm.s32 $_scs_section_size  }
0xa0: {  	s7 =	simm.s32 $_size__tile_overlayer_lowered;
	s8 =	simm.s32 $_tile_overlayer_lowered  }
0xa1: {  	s22 =	simm.s32 $0x1BFF;
	s21 =	sshll.u32 s8, $0x1;
	s5 =	sadd.s32 s6, s19  }
0xa2: {  	s9 =	simm.s32 $0x0;
	s20 =	sshll.u32 s7, $0x1;
	s7 =	sadd.s32 s21, s5  }
0xa3: {  	[timem:s9], [sflag:s22] =	dma.local [hbm:s7], s20  }
0xa4: {  	_ =	swait.ge [sflag:s22], s20  }
0xa5: {  	s6 =	ssub.s32 $0x0, s20;
	[sflag:s22] =	ssyncset.done $0x0  }
0xa6: {  	[sflag:s22] =	ssyncadd.s32 s6;
	_ =	sdelay $0x1  }
0xa7: {  	s23 =	simm.s32 $0x1B8B  }
0xa8: {  	_ =	swait.ge [sflag:s23], $0x1  }
0xa9: {  	[sflag:s23] =	ssyncset.done $0x0  }
0xaa: {  	s25 =	simm.s32 $0x1B8E;
	s24 =	sld [smem:$0x3FFE];
	[sflag:s23] =	ssyncadd.s32 $0xFFFFFFFF  }
0xab: {  	s26 =	simm.s32 $execute0_lowered;
	[smem:$0x3FD2] =	sst s25  }
0xac: {  	s7 =	sshll.u32 s26, $0x1;
	_ =	strace $0x80000046;
	[dreg:$0x1] =	wrdreg $0xFFFFFFFF  }
0xad: {  	s28 =	simm.s32 $_size_execute0_lowered;
	s5 =	sadd.s32 s5, s7;
	[dreg:$0x0] =	wrdreg $0x0  }
0xae: {  	s7 =	sshll.u32 s28, $0x1;
	[dreg:$0x2] =	wrdreg s5  }
0xaf: {  	[dreg:$0x3] =	wrdreg s7  }
0xb0: {  	[dreg:$0x4] =	wrdreg $0xC0  }
0xb1: {  	_ =	task [dreg:s9], $0x5FFFF  }
0xb2: {  	[dreg:$0x1] =	wrdreg $0xFFFFFFFF  }
0xb3: {  	[dreg:$0x0] =	wrdreg $0x60  }
0xb4: {  	[dreg:$0x2] =	wrdreg s24  }
0xb5: {  	[dreg:$0x3] =	wrdreg s18  }
0xb6: {  	[dreg:$0x4] =	wrdreg s16  }
0xb7: {  	[dreg:$0x5] =	wrdreg s17  }
0xb8: {  	[dreg:$0x6] =	wrdreg $0x9  }
0xb9: {  	_ =	task.clear_ibuf [dreg:s9], $0x7FFFF;
	_ =	strace $0x90000046  }
0xba: {  	s29 =	simm.s32 $0x9;
	_ =	strace $0x80000048  }
0xbb: {  	_ =	swait.ge [sflag:s29], $0x1  }
0xbc: {  	[sflag:s29] =	ssyncadd.s32 $0xFFFFFFFF  }
0xbd: {  	_ =	strace $0x90000048  }
0xbe: {  	_ =	sfence  }
0xbf: {  	s30 =	sld [smem:$0x0];
	_ =	sdelay $0x2  }
0xc0: {  	s31 =	sshll.u32 s1, $0xD;
	s1 =	sshrl.u32 s1, $0x2  }
0xc1: {  	s3 =	sand.u32 $0x4000, s31;
	s1 =	sadd.s32 s1, s30  }
0xc2: {  	s0 =	sor.u32 s3, s0;
	s1 =	sshll.u32 s1, $0x11  }
0xc3: {  	s0 =	sor.u32 s1, s0  }
0xc4: {  	s0 =	sadd.s32 $0x8F2B, s0  }
0xc5: {  	[sflag:s0] =	ssyncadd.remote.s32 $0x1  }
0xc6: {  	_ =	sfence.sel $0xFFFF  }
0xc7: {  	[dreg:$0x0] =	wrdreg $0xFFFFFFFF;
	(pc) =	sbr.abs _section_cstart, $3  }
0xc8: {  	[dreg:$0x1] =	wrdreg $0xFFFFFFFF  }
0xc9: {  	_ =	task.clear_ibuf [dreg:s9], $0x2FFFF;
	_ =	strace $0x9FFFFFFF  }
0xca: {  	(tm) =	ssettm $0x7FFFFFFF  }
0xcb: {  	_ =	shalt  }
tec
execute0_lowered:
.L_overlay_start_1:
0x0: {  	(tag) =	ssettag $0x1  }
0x1: {  	s4 =	rddreg [dreg:$0x0]  }
0x2: {  	s5 =	rddreg [dreg:$0x1]  }
0x3: {  	s6 =	rddreg [dreg:$0x2]  }
0x4: {  	s8 =	rddreg [dreg:$0x3]  }
0x5: {  	s0 =	rddreg [dreg:$0x4];
	s2 =	simm.s32 $0x0;
	s3 =	srdreg.scid  }
0x6: {  	s1 =	stileid.u32;
	s14 =	simm.s32 $0x8000;
	s15 =	simm.s32 $0x8400  }
0x7: {  	s16 =	simm.s32 $0x8800;
	s17 =	simm.s32 $0x8C00;
	s18 =	simm.s32 $0x0  }
0x8: {  	[smem:$0x7FF] =	sst s2;
	s7 =	sand.u32 $0x1, s3;
	s31 =	sshll.u32 s1, $0x1  }
0x9: {  	s3 =	sadd.s32 $0xC00, s4;
	_ =	strace $0x80000047;
	s9 =	sor.u32 s7, s31  }
0xa: {  	s7 =	ssub.s32 $0x2, s7;
	s10 =	sshll.u32 s9, $0x9;
	s11 =	sshll.u32 s9, $0x7  }
0xb: {  	s12 =	sshrl.u32 s7, $0x1;
	s9 =	sshll.u32 s9, $0x6;
	s10 =	sadd.s32 s10, s4  }
0xc: {  	v0 =	vlaneseq.u32;
	s13 =	sadd.s32 s11, s4;
	s12 =	ssub.s32 s7, s12;
	s5 =	sadd.s32 s5, s11  }
0xd: {  	v0 =	vmul.u32 $0x2, v0;
	s6 =	sadd.s32 s6, s11;
	s8 =	sadd.s32 s8, s9;
	s11 =	simm.s32 $0x1000  }
0xe: {  	s4 =	sadd.s32 $0x1800, s10;
	s7 =	sadd.s32 $0x9800, s13;
	s9 =	smax.u32 s12, $0x1  }
0xf: {  	v2 =	vimm.s32 $0x0;
	v1 =	vor.u32 $0x1, v0;
	s10 =	simm.s32 $0x1;
	s12 =	simm.s32 $0x20000;
	s13 =	simm.s32 $0x6000  }
.LBB2_1:
0x10: {  	[tilespmem:s2], [sflag:$0x1] =	stream.linear.gather [hbm4b:s3+s2], $0x6000, $0x38;
	[tilespmem:$0x8E00] =	vst v63  }
0x11: {  	_ =	swait.ge [sflag:s10], $0x6000  }
0x12: {  	[sflag:s10] =	ssyncset.done $0x0  }
0x13: {  	[sflag:s10] =	ssyncadd.s32 $0xFFFFA000  }
0x14: {  	[tilespmem:s13], [sflag:$0x1] =	stream.strided.gather [hbm4b:s4+s11], $0x2000, s12, s11, $0x38;
	[tilespmem:$0x8E00] =	vst v63  }
0x15: {  	_ =	swait.ge [sflag:s10], $0x2000  }
0x16: {  	[sflag:s10] =	ssyncset.done $0x0  }
0x17: {  	[sflag:s10] =	ssyncadd.s32 $0xFFFFE000  }
0x18: {  	[tilespmem:s14], [sflag:$0x1] =	stream.linear.gather [hbm4b:s5+s2], $0x400, $0x38;
	[tilespmem:$0x8E00] =	vst v63  }
0x19: {  	s20 =	simm.s32 $0x0;
	_ =	swait.ge [sflag:s10], $0x400  }
0x1a: {  	s19 =	sand.u32 $0x70, s2;
	s20 =	sand.u32 $0x3FFFFC00, s20;
	[sflag:s10] =	ssyncset.done $0x0  }
0x1b: {  	s20 =	sor.u32 s19, s20;
	[sflag:s10] =	ssyncadd.s32 $0xFFFFFC00  }
0x1c: {  	v3 =	vld [tilespmem:s20+$0x7100]  }
0x1d: {  	v4 =	vld [tilespmem:s20+$0x6000]  }
0x1e: {  	v5 =	vld [tilespmem:s20+$0x6200]  }
0x1f: {  	v6 =	vld [tilespmem:s20+$0x7180]  }
0x20: {  	v7 =	vld [tilespmem:s20+$0x6080]  }
0x21: {  	v8 =	vld [tilespmem:s20+$0x7080]  }
0x22: {  	v9 =	vld [tilespmem:s20+$0x6100]  }
0x23: {  	v10 =	vld [tilespmem:s20+$0x6380]  }
0x24: {  	v11 =	vld [tilespmem:s20+$0x6180]  }
0x25: {  	v13 =	vld [tilespmem:s20+$0x6300];
	v12 =	vadd.s32 $0x400, v4  }
0x26: {  	v15 =	vld [tilespmem:s20+$0x7000];
	v14 =	vadd.s32 $0x400, v7  }
0x27: {  	v17 =	vld [tilespmem:s20+$0x6280]  }
0x28: {  	v16 =	vadd.s32 $0x400, v9;
	v4 =	vld.idx.msk [tilespmem:v4+s2+$0x0], $0xffff  }
0x29: {  	v7 =	vld.idx.msk [tilespmem:v7+s2+$0x0], $0xffff  }
0x2a: {  	v18 =	vadd.s32 $0x400, v11;
	v12 =	vld.idx.msk [tilespmem:v12+s2+$0x0], $0xffff  }
0x2b: {  	v14 =	vld.idx.msk [tilespmem:v14+s2+$0x0], $0xffff  }
0x2c: {  	v19 =	vadd.s32 $0x400, v5;
	v9 =	vld.idx.msk [tilespmem:v9+s2+$0x0], $0xffff  }
0x2d: {  	v16 =	vld.idx.msk [tilespmem:v16+s2+$0x0], $0xffff  }
0x2e: {  	v20 =	vadd.s32 $0x400, v17;
	v11 =	vld.idx.msk [tilespmem:v11+s2+$0x0], $0xffff  }
0x2f: {  	v18 =	vld.idx.msk [tilespmem:v18+s2+$0x0], $0xffff;
	v4 =	vadd.f32 v7, v4  }
0x30: {  	v21 =	vadd.s32 $0x400, v13;
	v5 =	vld.idx.msk [tilespmem:v5+s2+$0x0], $0xffff;
	v7 =	vadd.f32 v14, v12  }
0x31: {  	v54 =	vld.idx.msk [tilespmem:v19+s2+$0x0], $0xffff;
	v4 =	vadd.f32 v9, v4  }
0x32: {  	v55 =	vadd.s32 $0x400, v10;
	v9 =	vld.idx.msk [tilespmem:v17+s2+$0x0], $0xffff;
	v7 =	vadd.f32 v16, v7  }
0x33: {  	v56 =	vld.idx.msk [tilespmem:v20+s2+$0x0], $0xffff;
	v4 =	vadd.f32 v11, v4  }
0x34: {  	v57 =	vadd.s32 $0x400, v15;
	v11 =	vld.idx.msk [tilespmem:v13+s2+$0x0], $0xffff;
	v7 =	vadd.f32 v18, v7  }
0x35: {  	v58 =	vld.idx.msk [tilespmem:v21+s2+$0x0], $0xffff;
	v4 =	vadd.f32 v5, v4  }
0x36: {  	v59 =	vadd.s32 $0x400, v8;
	v5 =	vld.idx.msk [tilespmem:v10+s2+$0x0], $0xffff;
	v7 =	vadd.f32 v54, v7  }
0x37: {  	v10 =	vld.idx.msk [tilespmem:v55+s2+$0x0], $0xffff;
	v4 =	vadd.f32 v9, v4  }
0x38: {  	v60 =	vadd.s32 $0x400, v3;
	v9 =	vld.idx.msk [tilespmem:v15+s2+$0x0], $0xffff;
	v7 =	vadd.f32 v56, v7  }
0x39: {  	v61 =	vld.idx.msk [tilespmem:v57+s2+$0x0], $0xffff;
	v4 =	vadd.f32 v11, v4  }
0x3a: {  	v8 =	vld.idx.msk [tilespmem:v8+s2+$0x0], $0xffff;
	v11 =	vadd.s32 $0x400, v6;
	v7 =	vadd.f32 v58, v7  }
0x3b: {  	v62 =	vld.idx.msk [tilespmem:v59+s2+$0x0], $0xffff;
	v4 =	vadd.f32 v5, v4  }
0x3c: {  	v63 =	vld.idx.msk [tilespmem:v3+s2+$0x0], $0xffff;
	v3 =	vadd.f32 v10, v7  }
0x3d: {  	s31 =	simm.s32 $0x0;
	v10 =	vld.idx.msk [tilespmem:v60+s2+$0x0], $0xffff;
	v7 =	vadd.f32 v9, v4  }
0x3e: {  	s20 =	sand.u32 $0x3FFFFF00, s31;
	v4 =	vld.idx.msk [tilespmem:v6+s2+$0x0], $0xffff;
	v3 =	vadd.f32 v61, v3  }
0x3f: {  	s19 =	sor.u32 s19, s20;
	v5 =	vld.idx.msk [tilespmem:v11+s2+$0x0], $0xffff;
	v7 =	vadd.f32 v8, v7  }
0x40: {  	v6 =	vld [tilespmem:s19+$0x8080];
	v9 =	vadd.f32 v62, v3  }
0x41: {  	s21 =	simm.s32 $0x1;
	s22 =	simm.s32 $0x20;
	s23 =	simm.s32 $0x8C00;
	v8 =	vadd.f32 v63, v7;
	v7 =	vld [tilespmem:s19+$0x8000]  }
0x42: {  	s24 =	simm.s32 $0x0;
	s20 =	simm.s32 $0x0;
	v3 =	vor.u32 s2, v0;
	s19 =	simm.s32 $0x8C00;
	v9 =	vadd.f32 v10, v9  }
.LBB2_2:
0x43: {  	v10 =	vor.u32 s22, v0;
	p0 =	sne.s32 s21, $0x1F;
	s23 =	sadd.s32 $0x10, s23;
	s24 =	sadd.s32 $0x10, s24  }
0x44: {  	v4 =	vadd.f32 v4, v8;
	v8 =	vor.u32 s20, v1;
	s25 =	smov.u32 s21;
	s21 =	sadd.s32 $0x1, s21;
	s20 =	smov.u32 s22;
	v5 =	vadd.f32 v5, v9  }
0x45: {  	_ = 	snop  }
0x46: {  	v4 =	vadd.f32 v7, v4;
	v5 =	vadd.f32 v6, v5  }
0x47: {  	s28 =	sshll.u32 s25, $0x7  }
0x48: {  	s26 =	sand.u32 $0x70, s24;
	s28 =	sand.u32 $0x3FFFFC00, s28;
	v6 =	vmax.f32 v4, v5;
	[tilespmem:v3+s15+$0x0] =	vst.idx.msk $0xffff, v4;
	vm0 =	vgt.f32 v5, v4  }
0x49: {  	s28 =	sor.u32 s26, s28;
	v4 =	vsub.f32 v4, v6;
	v6 =	vsub.f32 v5, v6;
	[tilespmem:v8+s15+$0x0] =	vst.idx.msk $0xffff, v5;
	_ =	sdelay $0x1  }
0x4a: {  	v4 =	vmul.f32 $1.442695020e+00, v4;
	v5 =	vmul.f32 $1.442695020e+00, v6;
	_ =	sdelay $0x1  }
0x4b: {  	(erf) = vpow2.f32 v4  }
0x4c: {  	(erf) = vpow2.f32 v5;
	_ =	sdelay $0x7  }
0x4d: {  	v4 =	vpop (erf)  }
0x4e: {  	v5 =	vpop (erf)  }
0x4f: {  	v6 =	vadd.f32 v5, v4;
	_ =	sdelay $0x1  }
0x50: {  	(erf) = vrcp.f32 v6;
	_ =	sdelay $0x8  }
0x51: {  	v6 =	vpop (erf)  }
0x52: {  	v4 =	vmul.f32 v6, v4;
	v5 =	vmul.f32 v6, v5;
	_ =	sdelay $0x1  }
0x53: {  	[tilespmem:v3+s16+$0x0] =	vst.idx.msk $0xffff, v4;
	v3 =	vmov v10  }
0x54: {  	v4 =	vsel vm0, $0x1, v2;
	[tilespmem:v8+s16+$0x0] =	vst.idx.msk $0xffff, v5  }
0x55: {  	[tilespmem:s19+$0x0] =	vst v4;
	s19 =	smov.u32 s23  }
0x56: {  	v4 =	vld [tilespmem:s28+$0x7100]  }
0x57: {  	v5 =	vld [tilespmem:s28+$0x6000]  }
0x58: {  	v6 =	vld [tilespmem:s28+$0x6200]  }
0x59: {  	v7 =	vld [tilespmem:s28+$0x7180]  }
0x5a: {  	v8 =	vld [tilespmem:s28+$0x6080]  }
0x5b: {  	v9 =	vld [tilespmem:s28+$0x7080]  }
0x5c: {  	v10 =	vld [tilespmem:s28+$0x6100]  }
0x5d: {  	v11 =	vld [tilespmem:s28+$0x6380]  }
0x5e: {  	v13 =	vadd.s32 $0x400, v6;
	v12 =	vld [tilespmem:s28+$0x6180];
	v14 =	vadd.s32 $0x400, v7  }
0x5f: {  	v18 =	vadd.s32 $0x400, v4;
	v15 =	vadd.s32 $0x400, v5;
	v16 =	vadd.s32 $0x400, v8;
	v17 =	vld [tilespmem:s28+$0x6300]  }
0x60: {  	v19 =	vld [tilespmem:s28+$0x7000];
	v20 =	vadd.s32 $0x400, v9  }
0x61: {  	v5 =	vld.idx.msk [tilespmem:v5+s2+$0x0], $0xffff;
	v21 =	vadd.s32 $0x400, v10  }
0x62: {  	v8 =	vld.idx.msk [tilespmem:v8+s2+$0x0], $0xffff;
	v22 =	vadd.s32 $0x400, v11  }
0x63: {  	v23 =	vadd.s32 $0x400, v12;
	v24 =	vld [tilespmem:s28+$0x6280]  }
0x64: {  	v15 =	vld.idx.msk [tilespmem:v15+s2+$0x0], $0xffff;
	v25 =	vadd.s32 $0x400, v17  }
0x65: {  	v16 =	vld.idx.msk [tilespmem:v16+s2+$0x0], $0xffff  }
0x66: {  	v10 =	vld.idx.msk [tilespmem:v10+s2+$0x0], $0xffff  }
0x67: {  	v21 =	vld.idx.msk [tilespmem:v21+s2+$0x0], $0xffff  }
0x68: {  	v5 =	vadd.f32 v8, v5;
	v8 =	vld.idx.msk [tilespmem:v12+s2+$0x0], $0xffff;
	v12 =	vadd.s32 $0x400, v24  }
0x69: {  	v26 =	vadd.s32 $0x400, v19;
	v23 =	vld.idx.msk [tilespmem:v23+s2+$0x0], $0xffff  }
0x6a: {  	v6 =	vld.idx.msk [tilespmem:v6+s2+$0x0], $0xffff  }
0x6b: {  	v15 =	vadd.f32 v16, v15;
	v13 =	vld.idx.msk [tilespmem:v13+s2+$0x0], $0xffff  }
0x6c: {  	v5 =	vadd.f32 v10, v5;
	v10 =	vld.idx.msk [tilespmem:v24+s2+$0x0], $0xffff  }
0x6d: {  	v15 =	vadd.f32 v21, v15;
	v12 =	vld.idx.msk [tilespmem:v12+s2+$0x0], $0xffff  }
0x6e: {  	v5 =	vadd.f32 v8, v5;
	v8 =	vld.idx.msk [tilespmem:v17+s2+$0x0], $0xffff  }
0x6f: {  	v15 =	vadd.f32 v23, v15;
	v16 =	vld.idx.msk [tilespmem:v25+s2+$0x0], $0xffff  }
0x70: {  	v5 =	vadd.f32 v6, v5;
	v6 =	vld.idx.msk [tilespmem:v11+s2+$0x0], $0xffff  }
0x71: {  	v11 =	vadd.f32 v13, v15;
	v13 =	vld.idx.msk [tilespmem:v22+s2+$0x0], $0xffff  }
0x72: {  	v5 =	vadd.f32 v10, v5;
	v10 =	vld.idx.msk [tilespmem:v19+s2+$0x0], $0xffff  }
0x73: {  	v11 =	vadd.f32 v12, v11;
	v12 =	vld.idx.msk [tilespmem:v26+s2+$0x0], $0xffff  }
0x74: {  	v5 =	vadd.f32 v8, v5;
	v8 =	vld.idx.msk [tilespmem:v9+s2+$0x0], $0xffff  }
0x75: {  	v9 =	vadd.f32 v16, v11;
	v11 =	vld.idx.msk [tilespmem:v20+s2+$0x0], $0xffff  }
0x76: {  	v5 =	vadd.f32 v6, v5;
	v15 =	vld.idx.msk [tilespmem:v4+s2+$0x0], $0xffff  }
0x77: {  	v6 =	vadd.f32 v13, v9;
	v9 =	vld.idx.msk [tilespmem:v18+s2+$0x0], $0xffff  }
0x78: {  	s25 =	sshll.u32 s25, $0x5;
	v10 =	vadd.f32 v10, v5;
	v4 =	vld.idx.msk [tilespmem:v7+s2+$0x0], $0xffff  }
.Ltmp0:
0x79: {  	s25 =	sand.u32 $0x3FFFFF00, s25;
	v6 =	vadd.f32 v12, v6;
	v5 =	vld.idx.msk [tilespmem:v14+s2+$0x0], $0xffff;
	(pc) =	sbr.rel @p0 .LBB2_2-.Ltmp0, $4  }
0x7a: {  	s25 =	sor.u32 s26, s25;
	v7 =	vadd.f32 v8, v10  }
0x7b: {  	v10 =	vadd.f32 v11, v6;
	v6 =	vld [tilespmem:s25+$0x8080]  }
0x7c: {  	v8 =	vadd.f32 v15, v7;
	v7 =	vld [tilespmem:s25+$0x8000]  }
0x7d: {  	s22 =	sadd.s32 $0x20, s22;
	v9 =	vadd.f32 v9, v10  }
0x7e: {  	_ = 	snop  }
0x7f: {  	v4 =	vadd.f32 v4, v8;
	v5 =	vadd.f32 v5, v9;
	_ =	sdelay $0x1  }
0x80: {  	v4 =	vadd.f32 v7, v4;
	v5 =	vadd.f32 v6, v5;
	_ =	sdelay $0x1  }
0x81: {  	v6 =	vmax.f32 v4, v5  }
0x82: {  	v7 =	vsub.f32 v4, v6  }
0x83: {  	v6 =	vsub.f32 v5, v6  }
0x84: {  	v7 =	vmul.f32 $1.442695020e+00, v7  }
0x85: {  	v6 =	vmul.f32 $1.442695020e+00, v6  }
0x86: {  	(erf) = vpow2.f32 v7  }
0x87: {  	(erf) = vpow2.f32 v6;
	_ =	sdelay $0x7  }
0x88: {  	v59 =	vpop (erf)  }
0x89: {  	v60 =	vpop (erf)  }
0x8a: {  	v61 =	vadd.f32 v60, v59;
	_ =	sdelay $0x1  }
0x8b: {  	(erf) = vrcp.f32 v61;
	_ =	sdelay $0x5  }
0x8c: {  	v62 =	vor.u32 s20, v1;
	_ =	sdelay $0x2  }
0x8d: {  	v63 =	vpop (erf)  }
0x8e: {  	[tilespmem:v3+s15+$0x0] =	vst.idx.msk $0xffff, v4;
	v6 =	vmul.f32 v63, v59  }
0x8f: {  	[tilespmem:v62+s15+$0x0] =	vst.idx.msk $0xffff, v5;
	v7 =	vmul.f32 v63, v60  }
0x90: {  	vm0 =	vgt.f32 v5, v4;
	[tilespmem:v3+s16+$0x0] =	vst.idx.msk $0xffff, v6  }
0x91: {  	v3 =	vsel vm0, $0x1, v2;
	[tilespmem:v62+s16+$0x0] =	vst.idx.msk $0xffff, v7  }
0x92: {  	[tilespmem:s19+$0x0] =	vst v3  }
0x93: {  	[hbm4b:s6+s2] =	stream.linear.scatter [tilespmem:s15], [sflag:$0x1], $0x400, $0x38;
	[tilespmem:$0x8E00] =	vst v63  }
0x94: {  	_ =	swait.ge [sflag:s10], $0x400  }
0x95: {  	[sflag:s10] =	ssyncset.done $0x0  }
0x96: {  	[sflag:s10] =	ssyncadd.s32 $0xFFFFFC00  }
0x97: {  	[hbm4b:s7+s2] =	stream.linear.scatter [tilespmem:s16], [sflag:$0x1], $0x400, $0x38;
	[tilespmem:$0x8E00] =	vst v63  }
0x98: {  	s18 =	sadd.s32 $0x1, s18;
	_ =	swait.ge [sflag:s10], $0x400  }
0x99: {  	p0 =	sne.s32 s18, s9;
	[sflag:s10] =	ssyncset.done $0x0  }
.Ltmp1:
0x9a: {  	[sflag:s10] =	ssyncadd.s32 $0xFFFFFC00;
	(pc) =	sbr.rel @p0 .LBB2_1-.Ltmp1, $4  }
0x9b: {  	[hbm4b:s8+s2] =	stream.linear.scatter [tilespmem:s17], [sflag:$0x1], $0x200, $0x38;
	[tilespmem:$0x8E00] =	vst v63  }
0x9c: {  	_ =	swait.ge [sflag:s10], $0x200  }
0x9d: {  	[sflag:s10] =	ssyncset.done $0x0  }
0x9e: {  	[sflag:s10] =	ssyncadd.s32 $0xFFFFFE00  }
0x9f: {  	_ =	sfence.sel $0x180000  }
0xa0: {  	[bflag:$0x0] =	sbarrier.arrive $0xFFFF  }
0xa1: {  	p0 =	sne.s32 s1, $0x0;
	_ =	strace $0x90000047  }
0xa2: {  	s0 =	sadd.s32 @!p0 $0x100000, s0;
	[bflag:$0x2] =	sbarrier.arrive $0xFFFF  }
0xa3: {  	[sflag:s0] =	ssyncadd.tile.s32 @!p0 $0x1;
	_ =	shalt  }
.Lfunc_end2:
_tile_overlayer_lowered:
.L_overlay_start_2:
0xa4: {  	(tag) =	ssettag $0x2  }
0xa5: {  	s0 =	rddreg [dreg:$0x0];
	s2 =	stileid.u32  }
0xa6: {  	s1 =	rddreg [dreg:$0x1];
	p0 =	sne.s32 s2, $0x0  }
0xa7: {  	s3 =	rddreg [dreg:$0x2];
	[bflag:$0x3] =	sbarrier.arrive $0xFFFF;
	s2 =	simm.s32 @!p0 $0x1C01  }
0xa8: {  	[timem:s3], [sflag:s2] =	dma.local @!p0 [hbm:s0], s1  }
0xa9: {  	s0 =	simm.s32 @!p0 $0x1  }
0xaa: {  	_ =	swait.ge @!p0 [sflag:s0], s1  }
0xab: {  	s1 =	ssub.s32 @!p0 $0x0, s1;
	[sflag:s0] =	ssyncset.done @!p0 $0x0  }
0xac: {  	[sflag:s0] =	ssyncadd.s32 @!p0 s1  }
0xad: {  	[bflag:$0x3] =	sbarrier.arrive $0xFFFF  }
0xae: {  	_ =	shalt  }

</sc_bundles>
